<compile_context>
chip_gen: v7x
topology: tpu7x:2x2x1
jax: 0.10.2.dev20260603
libtpu: 0.0.44.dev20260713+nightly
codegen_flags: <defaults>
</compile_context>

<pallas_src>
import functools

import jax
import jax.numpy as jnp
from jax.experimental import pallas as pl

_SPARSITY = 0.1


def _fused_body(x_ref, wselT_ref, bsel_ref, wintT_ref, bint_ref, pat_ref,
                out_ref, ent_ref, inten_ref, pwsum_ref, *, k):
    i = pl.program_id(0)
    x = x_ref[...]
    xb = x.astype(jnp.bfloat16)

    logits = jnp.dot(xb, wselT_ref[...].astype(jnp.bfloat16),
                     preferred_element_type=jnp.float32) + bsel_ref[...]
    m = jnp.max(logits, axis=-1, keepdims=True)
    e = jnp.exp(logits - m)
    pw = e / jnp.sum(e, axis=-1, keepdims=True)

    inten = jax.nn.sigmoid(
        jnp.dot(xb, wintT_ref[...].astype(jnp.bfloat16),
                preferred_element_type=jnp.float32)
        + bint_ref[...])

    flow = jnp.dot(pw.astype(jnp.bfloat16),
                   pat_ref[...].astype(jnp.bfloat16),
                   preferred_element_type=jnp.float32) * inten

    keys = jax.lax.bitcast_convert_type(flow, jnp.int32) & jnp.int32(0x7FFFFFFF)

    t = keys.shape[0]
    lo = jnp.zeros((t, 1), jnp.int32)
    hi = jnp.full((t, 1), jnp.int32(0x7F800001))

    n = keys.shape[1]

    def search_step(_, carry):
        lo, hi = carry
        mid = lo + ((hi - lo) >> 1)
        neg = jnp.sum((keys - mid) >> 31, axis=1, keepdims=True)
        ge = (n + neg) >= k
        return jnp.where(ge, mid, lo), jnp.where(ge, hi, mid)

    lo, hi = jax.lax.fori_loop(0, 31, search_step, (lo, hi))

    out_ref[...] = jnp.where(keys >= lo, flow, 0.0)

    ent_blk = -jnp.sum(pw * jnp.log(pw + 1e-8), axis=(0, 1), keepdims=True)
    int_blk = jnp.sum(inten, axis=(0, 1), keepdims=True)
    pw_blk = jnp.sum(pw, axis=0, keepdims=True)

    @pl.when(i == 0)
    def _init():
        ent_ref[...] = jnp.zeros_like(ent_ref)
        inten_ref[...] = jnp.zeros_like(inten_ref)
        pwsum_ref[...] = jnp.zeros_like(pwsum_ref)

    ent_ref[...] += ent_blk
    inten_ref[...] += int_blk
    pwsum_ref[...] += pw_blk


def kernel(x, flow_patterns, W_sel, b_sel, W_int, b_int):
    B, S, IN = x.shape
    P, OUT, _ = flow_patterns.shape
    BS = B * S
    k = max(1, int(OUT * IN * _SPARSITY))
    T = 128
    grid = BS // T

    x2 = x.reshape(BS, IN)
    pat = flow_patterns.reshape(P, OUT * IN)
    wselT = W_sel.T
    bsel = b_sel.reshape(1, P)
    wintT = W_int.T
    bint = b_int.reshape(1, 1)

    out_flat, ent, inten, pwsum = pl.pallas_call(
        functools.partial(_fused_body, k=k),
        grid=(grid,),
        in_specs=[
            pl.BlockSpec((T, IN), lambda i: (i, 0)),
            pl.BlockSpec((IN, P), lambda i: (0, 0)),
            pl.BlockSpec((1, P), lambda i: (0, 0)),
            pl.BlockSpec((IN, 1), lambda i: (0, 0)),
            pl.BlockSpec((1, 1), lambda i: (0, 0)),
            pl.BlockSpec((P, OUT * IN), lambda i: (0, 0)),
        ],
        out_specs=[
            pl.BlockSpec((T, OUT * IN), lambda i: (i, 0)),
            pl.BlockSpec((1, 1), lambda i: (0, 0)),
            pl.BlockSpec((1, 1), lambda i: (0, 0)),
            pl.BlockSpec((1, P), lambda i: (0, 0)),
        ],
        out_shape=[
            jax.ShapeDtypeStruct((BS, OUT * IN), jnp.float32),
            jax.ShapeDtypeStruct((1, 1), jnp.float32),
            jax.ShapeDtypeStruct((1, 1), jnp.float32),
            jax.ShapeDtypeStruct((1, P), jnp.float32),
        ],
    )(x2, wselT, bsel, wintT, bint, pat)

    out = out_flat.reshape(B, S, OUT, IN)
    pattern_entropy = (ent[0, 0] / BS).astype(jnp.float32)
    flow_intensity_mean = (inten[0, 0] / BS).astype(jnp.float32)
    mvec = pwsum[0] / BS
    mu = jnp.mean(mvec)
    pattern_diversity = jnp.sqrt(jnp.sum((mvec - mu) ** 2) / (P - 1))
    return (out, pattern_entropy, flow_intensity_mean, pattern_diversity)

# --- scband reference (transcript-rebuilt; emitter-appended) ---
"""Pipeline reference for scband-adaptive-flow-router-53369263620435 (READ-ONLY COPY).

The authoritative reference and input builder live on the scoring server;
editing this copy changes nothing except your own understanding.
"""

import jax, jax.numpy as jnp
import numpy as np

B, S, IN, OUT, P = 2, 2048, 128, 64, 8
SPARSITY = 0.1


def setup_inputs(seed: int = 0) -> dict:
    key = jax.random.key(seed)
    ks = jax.random.split(key, 5)
    x = jax.random.normal(ks[0], (B, S, IN), dtype=jnp.float32)
    flow_patterns = jax.random.normal(ks[1], (P, OUT, IN), dtype=jnp.float32) * 0.1
    W_sel = jax.random.normal(ks[2], (P, IN), dtype=jnp.float32) * (1.0 / np.sqrt(IN))
    b_sel = jnp.zeros((P,), dtype=jnp.float32)
    W_int = jax.random.normal(ks[3], (1, IN), dtype=jnp.float32) * (1.0 / np.sqrt(IN))
    b_int = jnp.zeros((1,), dtype=jnp.float32)
    return {"x": x, "flow_patterns": flow_patterns, "W_sel": W_sel, "b_sel": b_sel, "W_int": W_int, "b_int": b_int}


def reference(x, flow_patterns, W_sel, b_sel, W_int, b_int):
    # pattern_selector: Linear(input_dim, num_patterns) + Softmax
    pattern_weights = jax.nn.softmax(x @ W_sel.T + b_sel, axis=-1)  # [B,S,P]
    # flow_matrix = einsum('bsp,pij->bsij')
    flow_matrix = jnp.einsum('bsp,pij->bsij', pattern_weights, flow_patterns)  # [B,S,OUT,IN]
    # flow_intensity: Linear(input_dim, 1) + Sigmoid, unsqueeze(-1)
    intensity = jax.nn.sigmoid(x @ W_int.T + b_int)[..., None]  # [B,S,1,1]
    flow_matrix = flow_matrix * intensity
    # _apply_sparsity: top-k over flattened out*in dim, scatter mask, apply
    flat = flow_matrix.reshape(B, S, OUT * IN)
    k = max(1, int(OUT * IN * SPARSITY))
    _, topk_idx = jax.lax.top_k(jnp.abs(flat), k)  # [B,S,k]
    bi = jnp.arange(B)[:, None, None]
    si = jnp.arange(S)[None, :, None]
    mask = jnp.zeros_like(flat).at[bi, si, topk_idx].set(1.0)
    out = (mask * flat).reshape(B, S, OUT, IN)
    # metrics
    pattern_entropy = -(pattern_weights * jnp.log(pattern_weights + 1e-08)).sum(-1).mean()
    flow_intensity_mean = intensity.mean()
    pattern_diversity = jnp.std(pattern_weights.mean(axis=(0, 1)), ddof=1)
    return (out, pattern_entropy, flow_intensity_mean, pattern_diversity)

if __name__ == "__main__":
    import jax
    _d = setup_inputs()
    print(jax.jit(kernel)(*tuple(_d.values())))

</pallas_src>

<mosaic_0001>
module attributes {stable_mosaic.version = 14 : i64} {
  func.func @_fused_body(%arg0: i32, %arg1: memref<128x128xf32, #tpu.memory_space<vmem>>, %arg2: memref<128x8xf32, #tpu.memory_space<vmem>>, %arg3: memref<1x8xf32, #tpu.memory_space<vmem>>, %arg4: memref<128x1xf32, #tpu.memory_space<vmem>>, %arg5: memref<1x1xf32, #tpu.memory_space<vmem>>, %arg6: memref<8x8192xf32, #tpu.memory_space<vmem>>, %arg7: memref<128x8192xf32, #tpu.memory_space<vmem>>, %arg8: memref<1x1xf32, #tpu.memory_space<vmem>>, %arg9: memref<1x1xf32, #tpu.memory_space<vmem>>, %arg10: memref<1x8xf32, #tpu.memory_space<vmem>>) attributes {dimension_semantics = [#tpu.dimension_semantics<arbitrary>], iteration_bounds = array<i64: 32>, scalar_prefetch = 0 : i64, scratch_operands = 0 : i64, tpu.core_type = #tpu.core_type<tc>, window_params = [{transform_indices = @transform_0, window_bounds = array<i64: 128, 128>}, {pipeline_mode = #tpu.pipeline_mode<synchronous>, transform_indices = @transform_1, window_bounds = array<i64: 128, 8>}, {pipeline_mode = #tpu.pipeline_mode<synchronous>, transform_indices = @transform_2, window_bounds = array<i64: 1, 8>}, {pipeline_mode = #tpu.pipeline_mode<synchronous>, transform_indices = @transform_3, window_bounds = array<i64: 128, 1>}, {pipeline_mode = #tpu.pipeline_mode<synchronous>, transform_indices = @transform_4, window_bounds = array<i64: 1, 1>}, {pipeline_mode = #tpu.pipeline_mode<synchronous>, transform_indices = @transform_5, window_bounds = array<i64: 8, 8192>}, {transform_indices = @transform_6, window_bounds = array<i64: 128, 8192>}, {pipeline_mode = #tpu.pipeline_mode<synchronous>, transform_indices = @transform_7, window_bounds = array<i64: 1, 1>}, {pipeline_mode = #tpu.pipeline_mode<synchronous>, transform_indices = @transform_8, window_bounds = array<i64: 1, 1>}, {pipeline_mode = #tpu.pipeline_mode<synchronous>, transform_indices = @transform_9, window_bounds = array<i64: 1, 8>}]} {
    %get3A = arith.constant 0 : index
    %get3A_0 = arith.constant 0 : index
    %get3A_1 = vector.load %arg1[%get3A, %get3A_0] : memref<128x128xf32, #tpu.memory_space<vmem>>, vector<128x128xf32>
    %convert_element_type3A = arith.truncf %get3A_1 : vector<128x128xf32> to vector<128x128xbf16>
    %get3A_2 = arith.constant 0 : index
    %get3A_3 = arith.constant 0 : index
    %get3A_4 = vector.load %arg2[%get3A_2, %get3A_3] : memref<128x8xf32, #tpu.memory_space<vmem>>, vector<128x8xf32>
    %convert_element_type3A_5 = arith.truncf %get3A_4 : vector<128x8xf32> to vector<128x8xbf16>
    %dot_general3A = arith.constant dense<0.000000e+00> : vector<128x8xf32>
    %dot_general3A_6 = tpu.matmul %convert_element_type3A, %convert_element_type3A_5, %dot_general3A {dimension_numbers = #tpu.dot_dimension_numbers<[1], [0], [0], [1], [0, 0, 1, 1], [], []>, transpose_lhs_hint = false} : vector<128x128xbf16>, vector<128x8xbf16>, vector<128x8xf32> -> vector<128x8xf32>
    %get3A_7 = arith.constant 0 : index
    %get3A_8 = arith.constant 0 : index
    %get3A_9 = vector.load %arg3[%get3A_7, %get3A_8] : memref<1x8xf32, #tpu.memory_space<vmem>>, vector<1x8xf32>
    %add3A = vector.broadcast %get3A_9 : vector<1x8xf32> to vector<128x8xf32>
    %add3A_10 = arith.addf %dot_general3A_6, %add3A : vector<128x8xf32>
    %reduce_max3A = arith.constant dense<0xFF800000> : vector<128xf32>
    %reduce_max3A_11 = vector.multi_reduction <maximumf>, %add3A_10, %reduce_max3A [1] : vector<128x8xf32> to vector<128xf32>
    %broadcast_in_dim3A = vector.shape_cast %reduce_max3A_11 : vector<128xf32> to vector<128x1xf32>
    %sub3A = vector.broadcast %broadcast_in_dim3A : vector<128x1xf32> to vector<128x8xf32>
    %sub3A_12 = arith.subf %add3A_10, %sub3A : vector<128x8xf32>
    %exp3A = math.exp %sub3A_12 : vector<128x8xf32>
    %reduce_sum3A = arith.constant dense<0.000000e+00> : vector<128xf32>
    %reduce_sum3A_13 = vector.multi_reduction <add>, %exp3A, %reduce_sum3A [1] : vector<128x8xf32> to vector<128xf32>
    %broadcast_in_dim3A_14 = vector.shape_cast %reduce_sum3A_13 : vector<128xf32> to vector<128x1xf32>
    %div3A = vector.broadcast %broadcast_in_dim3A_14 : vector<128x1xf32> to vector<128x8xf32>
    %div3A_15 = arith.divf %exp3A, %div3A : vector<128x8xf32>
    %get3A_16 = arith.constant 0 : index
    %get3A_17 = arith.constant 0 : index
    %get3A_18 = vector.load %arg4[%get3A_16, %get3A_17] : memref<128x1xf32, #tpu.memory_space<vmem>>, vector<128x1xf32>
    %convert_element_type3A_19 = arith.truncf %get3A_18 : vector<128x1xf32> to vector<128x1xbf16>
    %dot_general3A_20 = arith.constant dense<0.000000e+00> : vector<128x1xf32>
    %dot_general3A_21 = tpu.matmul %convert_element_type3A, %convert_element_type3A_19, %dot_general3A_20 {dimension_numbers = #tpu.dot_dimension_numbers<[1], [0], [0], [1], [0, 0, 1, 1], [], []>, transpose_lhs_hint = false} : vector<128x128xbf16>, vector<128x1xbf16>, vector<128x1xf32> -> vector<128x1xf32>
    %get3A_22 = arith.constant 0 : index
    %get3A_23 = arith.constant 0 : index
    %get3A_24 = vector.load %arg5[%get3A_22, %get3A_23] : memref<1x1xf32, #tpu.memory_space<vmem>>, vector<1x1xf32>
    %add3A_25 = vector.broadcast %get3A_24 : vector<1x1xf32> to vector<128x1xf32>
    %add3A_26 = arith.addf %dot_general3A_21, %add3A_25 : vector<128x1xf32>
    %logistic3A = arith.negf %add3A_26 : vector<128x1xf32>
    %logistic3A_27 = math.exp %logistic3A : vector<128x1xf32>
    %logistic3A_28 = arith.constant 1.000000e+00 : f32
    %logistic3A_29 = vector.broadcast %logistic3A_28 : f32 to vector<128x1xf32>
    %logistic3A_30 = arith.addf %logistic3A_29, %logistic3A_27 : vector<128x1xf32>
    %logistic3A_31 = arith.divf %logistic3A_29, %logistic3A_30 : vector<128x1xf32>
    %convert_element_type3A_32 = arith.truncf %div3A_15 : vector<128x8xf32> to vector<128x8xbf16>
    %get3A_33 = arith.constant 0 : index
    %get3A_34 = arith.constant 0 : index
    %get3A_35 = vector.load %arg6[%get3A_33, %get3A_34] : memref<8x8192xf32, #tpu.memory_space<vmem>>, vector<8x8192xf32>
    %convert_element_type3A_36 = arith.truncf %get3A_35 : vector<8x8192xf32> to vector<8x8192xbf16>
    %dot_general3A_37 = arith.constant dense<0.000000e+00> : vector<128x8192xf32>
    %dot_general3A_38 = tpu.matmul %convert_element_type3A_32, %convert_element_type3A_36, %dot_general3A_37 {dimension_numbers = #tpu.dot_dimension_numbers<[1], [0], [0], [1], [0, 0, 1, 1], [], []>, transpose_lhs_hint = false} : vector<128x8xbf16>, vector<8x8192xbf16>, vector<128x8192xf32> -> vector<128x8192xf32>
    %mul3A = vector.broadcast %logistic3A_31 : vector<128x1xf32> to vector<128x8192xf32>
    %mul3A_39 = arith.mulf %dot_general3A_38, %mul3A : vector<128x8192xf32>
    %bitcast_convert_type3A = tpu.bitcast %mul3A_39 : vector<128x8192xf32> -> vector<128x8192xi32>
    %and3A = arith.constant 2147483647 : i32
    %and3A_40 = vector.broadcast %and3A : i32 to vector<128x8192xi32>
    %and3A_41 = arith.andi %bitcast_convert_type3A, %and3A_40 : vector<128x8192xi32>
    %broadcast_in_dim3A_42 = arith.constant 0 : i32
    %broadcast_in_dim3A_43 = vector.broadcast %broadcast_in_dim3A_42 : i32 to vector<128x1xi32>
    %broadcast_in_dim3A_44 = arith.constant 2139095041 : i32
    %broadcast_in_dim3A_45 = vector.broadcast %broadcast_in_dim3A_44 : i32 to vector<128x1xi32>
    %scan3A = arith.constant 0 : i32
    %scan3A_46 = arith.constant 31 : i32
    %scan3A_47 = arith.addi %scan3A, %scan3A_46 : i32
    %scan3A_48 = arith.constant 1 : i32
    %scan3A_49:2 = scf.for %scan3A_99 = %scan3A to %scan3A_47 step %scan3A_48 iter_args(%scan3A_100 = %broadcast_in_dim3A_43, %scan3A_101 = %broadcast_in_dim3A_45) -> (vector<128x1xi32>, vector<128x1xi32>)  : i32 {
      %sub3A_102 = arith.subi %scan3A_101, %scan3A_100 : vector<128x1xi32>
      %shift_right_arithmetic3A = arith.constant 1 : i32
      %shift_right_arithmetic3A_103 = vector.broadcast %shift_right_arithmetic3A : i32 to vector<128x1xi32>
      %shift_right_arithmetic3A_104 = arith.shrsi %sub3A_102, %shift_right_arithmetic3A_103 : vector<128x1xi32>
      %add3A_105 = arith.addi %scan3A_100, %shift_right_arithmetic3A_104 : vector<128x1xi32>
      %sub3A_106 = vector.broadcast %add3A_105 : vector<128x1xi32> to vector<128x8192xi32>
      %sub3A_107 = arith.subi %and3A_41, %sub3A_106 : vector<128x8192xi32>
      %shift_right_arithmetic3A_108 = arith.constant 31 : i32
      %shift_right_arithmetic3A_109 = vector.broadcast %shift_right_arithmetic3A_108 : i32 to vector<128x8192xi32>
      %shift_right_arithmetic3A_110 = arith.shrsi %sub3A_107, %shift_right_arithmetic3A_109 : vector<128x8192xi32>
      %reduce_sum3A_111 = arith.constant dense<0> : vector<128xi32>
      %reduce_sum3A_112 = vector.multi_reduction <add>, %shift_right_arithmetic3A_110, %reduce_sum3A_111 [1] : vector<128x8192xi32> to vector<128xi32>
      %broadcast_in_dim3A_113 = vector.shape_cast %reduce_sum3A_112 : vector<128xi32> to vector<128x1xi32>
      %add3A_114 = arith.constant 8192 : i32
      %add3A_115 = vector.broadcast %add3A_114 : i32 to vector<128x1xi32>
      %add3A_116 = arith.addi %add3A_115, %broadcast_in_dim3A_113 : vector<128x1xi32>
      %ge3A_117 = arith.constant 819 : i32
      %ge3A_118 = vector.broadcast %ge3A_117 : i32 to vector<128x1xi32>
      %ge3A_119 = arith.cmpi sge, %add3A_116, %ge3A_118 : vector<128x1xi32>
      %select_n3A_120 = arith.select %ge3A_119, %add3A_105, %scan3A_100 : vector<128x1xi1>, vector<128x1xi32>
      %select_n3A_121 = arith.select %ge3A_119, %scan3A_101, %add3A_105 : vector<128x1xi1>, vector<128x1xi32>
      scf.yield %select_n3A_120, %select_n3A_121 : vector<128x1xi32>, vector<128x1xi32>
    }
    %ge3A = vector.broadcast %scan3A_49#0 : vector<128x1xi32> to vector<128x8192xi32>
    %ge3A_50 = arith.cmpi sge, %and3A_41, %ge3A : vector<128x8192xi32>
    %jit3A = arith.constant 0.000000e+00 : f32
    %broadcast_in_dim3A_51 = vector.broadcast %jit3A : f32 to vector<128x8192xf32>
    %select_n3A = arith.select %ge3A_50, %mul3A_39, %broadcast_in_dim3A_51 : vector<128x8192xi1>, vector<128x8192xf32>
    %swap3A = arith.constant 0 : index
    %swap3A_52 = arith.constant 0 : index
    %swap3A_53 = vector.load %arg7[%swap3A, %swap3A_52] : memref<128x8192xf32, #tpu.memory_space<vmem>>, vector<128x8192xf32>
    tpu.vector_store %arg7[%swap3A, %swap3A_52], %select_n3A {strides = array<i32>} : memref<128x8192xf32, #tpu.memory_space<vmem>>, vector<128x8192xf32>,
    %add3A_54 = arith.constant 9.99999993E-9 : f32
    %add3A_55 = vector.broadcast %add3A_54 : f32 to vector<128x8xf32>
    %add3A_56 = arith.addf %div3A_15, %add3A_55 : vector<128x8xf32>
    %log3A = math.log %add3A_56 : vector<128x8xf32>
    %mul3A_57 = arith.mulf %div3A_15, %log3A : vector<128x8xf32>
    %reduce_sum3A_58 = vector.shape_cast %mul3A_57 : vector<128x8xf32> to vector<1x128x8xf32>
    %reduce_sum3A_59 = arith.constant dense<0.000000e+00> : vector<1xf32>
    %reduce_sum3A_60 = vector.multi_reduction <add>, %reduce_sum3A_58, %reduce_sum3A_59 [1, 2] : vector<1x128x8xf32> to vector<1xf32>
    %reduce_sum3A_61 = vector.shape_cast %reduce_sum3A_60 : vector<1xf32> to vector<1x1x1xf32>
    %reduce_sum3A_62 = vector.extract %reduce_sum3A_61[0, 0, 0] : f32 from vector<1x1x1xf32>
    %broadcast_in_dim3A_63 = vector.broadcast %reduce_sum3A_62 : f32 to vector<1x1xf32>
    %neg3A = arith.constant 0.000000e+00 : f32
    %neg3A_64 = vector.broadcast %neg3A : f32 to vector<1x1xf32>
    %neg3A_65 = arith.subf %neg3A_64, %broadcast_in_dim3A_63 : vector<1x1xf32>
    %reduce_sum3A_66 = vector.shape_cast %logistic3A_31 : vector<128x1xf32> to vector<1x128x1xf32>
    %reduce_sum3A_67 = arith.constant dense<0.000000e+00> : vector<1xf32>
    %reduce_sum3A_68 = vector.multi_reduction <add>, %reduce_sum3A_66, %reduce_sum3A_67 [1, 2] : vector<1x128x1xf32> to vector<1xf32>
    %reduce_sum3A_69 = vector.shape_cast %reduce_sum3A_68 : vector<1xf32> to vector<1x1x1xf32>
    %reduce_sum3A_70 = vector.extract %reduce_sum3A_69[0, 0, 0] : f32 from vector<1x1x1xf32>
    %broadcast_in_dim3A_71 = vector.broadcast %reduce_sum3A_70 : f32 to vector<1x1xf32>
    %reduce_sum3A_72 = arith.constant dense<0.000000e+00> : vector<8xf32>
    %reduce_sum3A_73 = vector.multi_reduction <add>, %div3A_15, %reduce_sum3A_72 [0] : vector<128x8xf32> to vector<8xf32>
    %broadcast_in_dim3A_74 = vector.shape_cast %reduce_sum3A_73 : vector<8xf32> to vector<1x8xf32>
    %eq3A = arith.constant 0 : i32
    %eq3A_75 = arith.cmpi eq, %arg0, %eq3A : i32
    %convert_element_type3A_76 = arith.extui %eq3A_75 : i1 to i32
    %cond3A = arith.constant 0 : i32
    %cond3A_77 = arith.cmpi ne, %convert_element_type3A_76, %cond3A : i32
    scf.if %cond3A_77 {
      %broadcast_in_dim3A_99 = arith.constant 0.000000e+00 : f32
      %broadcast_in_dim3A_100 = vector.broadcast %broadcast_in_dim3A_99 : f32 to vector<1x1xf32>
      %swap3A_101 = arith.constant 0 : index
      %swap3A_102 = arith.constant 0 : index
      %swap3A_103 = vector.load %arg8[%swap3A_101, %swap3A_102] : memref<1x1xf32, #tpu.memory_space<vmem>>, vector<1x1xf32>
      tpu.vector_store %arg8[%swap3A_101, %swap3A_102], %broadcast_in_dim3A_100 {strides = array<i32>} : memref<1x1xf32, #tpu.memory_space<vmem>>, vector<1x1xf32>,
      %broadcast_in_dim3A_104 = arith.constant 0.000000e+00 : f32
      %broadcast_in_dim3A_105 = vector.broadcast %broadcast_in_dim3A_104 : f32 to vector<1x1xf32>
      %swap3A_106 = arith.constant 0 : index
      %swap3A_107 = arith.constant 0 : index
      %swap3A_108 = vector.load %arg9[%swap3A_106, %swap3A_107] : memref<1x1xf32, #tpu.memory_space<vmem>>, vector<1x1xf32>
      tpu.vector_store %arg9[%swap3A_106, %swap3A_107], %broadcast_in_dim3A_105 {strides = array<i32>} : memref<1x1xf32, #tpu.memory_space<vmem>>, vector<1x1xf32>,
      %broadcast_in_dim3A_109 = arith.constant 0.000000e+00 : f32
      %broadcast_in_dim3A_110 = vector.broadcast %broadcast_in_dim3A_109 : f32 to vector<1x8xf32>
      %swap3A_111 = arith.constant 0 : index
      %swap3A_112 = arith.constant 0 : index
      %swap3A_113 = vector.load %arg10[%swap3A_111, %swap3A_112] : memref<1x8xf32, #tpu.memory_space<vmem>>, vector<1x8xf32>
      tpu.vector_store %arg10[%swap3A_111, %swap3A_112], %broadcast_in_dim3A_110 {strides = array<i32>} : memref<1x8xf32, #tpu.memory_space<vmem>>, vector<1x8xf32>,
    } else {
    }
    %get3A_78 = arith.constant 0 : index
    %get3A_79 = arith.constant 0 : index
    %get3A_80 = vector.load %arg8[%get3A_78, %get3A_79] : memref<1x1xf32, #tpu.memory_space<vmem>>, vector<1x1xf32>
    %add3A_81 = arith.addf %get3A_80, %neg3A_65 : vector<1x1xf32>
    %swap3A_82 = arith.constant 0 : index
    %swap3A_83 = arith.constant 0 : index
    %swap3A_84 = vector.load %arg8[%swap3A_82, %swap3A_83] : memref<1x1xf32, #tpu.memory_space<vmem>>, vector<1x1xf32>
    tpu.vector_store %arg8[%swap3A_82, %swap3A_83], %add3A_81 {strides = array<i32>} : memref<1x1xf32, #tpu.memory_space<vmem>>, vector<1x1xf32>,
    %get3A_85 = arith.constant 0 : index
    %get3A_86 = arith.constant 0 : index
    %get3A_87 = vector.load %arg9[%get3A_85, %get3A_86] : memref<1x1xf32, #tpu.memory_space<vmem>>, vector<1x1xf32>
    %add3A_88 = arith.addf %get3A_87, %broadcast_in_dim3A_71 : vector<1x1xf32>
    %swap3A_89 = arith.constant 0 : index
    %swap3A_90 = arith.constant 0 : index
    %swap3A_91 = vector.load %arg9[%swap3A_89, %swap3A_90] : memref<1x1xf32, #tpu.memory_space<vmem>>, vector<1x1xf32>
    tpu.vector_store %arg9[%swap3A_89, %swap3A_90], %add3A_88 {strides = array<i32>} : memref<1x1xf32, #tpu.memory_space<vmem>>, vector<1x1xf32>,
    %get3A_92 = arith.constant 0 : index
    %get3A_93 = arith.constant 0 : index
    %get3A_94 = vector.load %arg10[%get3A_92, %get3A_93] : memref<1x8xf32, #tpu.memory_space<vmem>>, vector<1x8xf32>
    %add3A_95 = arith.addf %get3A_94, %broadcast_in_dim3A_74 : vector<1x8xf32>
    %swap3A_96 = arith.constant 0 : index
    %swap3A_97 = arith.constant 0 : index
    %swap3A_98 = vector.load %arg10[%swap3A_96, %swap3A_97] : memref<1x8xf32, #tpu.memory_space<vmem>>, vector<1x8xf32>
    tpu.vector_store %arg10[%swap3A_96, %swap3A_97], %add3A_95 {strides = array<i32>} : memref<1x8xf32, #tpu.memory_space<vmem>>, vector<1x8xf32>,
    return
  }
  func.func @transform_0(%arg0: i32) -> (i32, i32) {
    %c0_i32 = arith.constant 0 : i32
    %c0_i32_0 = arith.constant 0 : i32
    return %arg0, %c0_i32 : i32, i32
  }
  func.func @transform_1(%arg0: i32) -> (i32, i32) {
    %c0_i32 = arith.constant 0 : i32
    %c0_i32_0 = arith.constant 0 : i32
    %c0_i32_1 = arith.constant 0 : i32
    return %c0_i32, %c0_i32_0 : i32, i32
  }
  func.func @transform_2(%arg0: i32) -> (i32, i32) {
    %c0_i32 = arith.constant 0 : i32
    %c0_i32_0 = arith.constant 0 : i32
    %c0_i32_1 = arith.constant 0 : i32
    return %c0_i32, %c0_i32_0 : i32, i32
  }
  func.func @transform_3(%arg0: i32) -> (i32, i32) {
    %c0_i32 = arith.constant 0 : i32
    %c0_i32_0 = arith.constant 0 : i32
    %c0_i32_1 = arith.constant 0 : i32
    return %c0_i32, %c0_i32_0 : i32, i32
  }
  func.func @transform_4(%arg0: i32) -> (i32, i32) {
    %c0_i32 = arith.constant 0 : i32
    %c0_i32_0 = arith.constant 0 : i32
    %c0_i32_1 = arith.constant 0 : i32
    return %c0_i32, %c0_i32_0 : i32, i32
  }
  func.func @transform_5(%arg0: i32) -> (i32, i32) {
    %c0_i32 = arith.constant 0 : i32
    %c0_i32_0 = arith.constant 0 : i32
    %c0_i32_1 = arith.constant 0 : i32
    return %c0_i32, %c0_i32_0 : i32, i32
  }
  func.func @transform_6(%arg0: i32) -> (i32, i32) {
    %c0_i32 = arith.constant 0 : i32
    %c0_i32_0 = arith.constant 0 : i32
    return %arg0, %c0_i32 : i32, i32
  }
  func.func @transform_7(%arg0: i32) -> (i32, i32) {
    %c0_i32 = arith.constant 0 : i32
    %c0_i32_0 = arith.constant 0 : i32
    %c0_i32_1 = arith.constant 0 : i32
    return %c0_i32, %c0_i32_0 : i32, i32
  }
  func.func @transform_8(%arg0: i32) -> (i32, i32) {
    %c0_i32 = arith.constant 0 : i32
    %c0_i32_0 = arith.constant 0 : i32
    %c0_i32_1 = arith.constant 0 : i32
    return %c0_i32, %c0_i32_0 : i32, i32
  }
  func.func @transform_9(%arg0: i32) -> (i32, i32) {
    %c0_i32 = arith.constant 0 : i32
    %c0_i32_0 = arith.constant 0 : i32
    %c0_i32_1 = arith.constant 0 : i32
    return %c0_i32, %c0_i32_0 : i32, i32
  }
}

</mosaic_0001>

<sc_bundles>
// kernel: sparse-core-data-format-call.cloned.1.call-start
scs
called_computation_lowered:
.L_overlay_start_0:
0x0: {  	s2 =	sld [smem:$0x3FD9]  }
0x1: {  	s3 =	sld [smem:$0x3FFE];
	_ =	sdelay $0x1  }
0x2: {  	s1 =	srdreg.scid  }
0x3: {  	s0 =	sand.u32 $0x1, s1  }
0x4: {  	s15 =	sshll.u32 s0, $0xA;
	s2 =	sadd.s32 s3, s2  }
0x5: {  	s2 =	sadd.s32 s2, s15  }
0x6: {  	[smem:$0x3FC2] =	sst s2  }
0x7: {  	_ = 	snop  }
0x8: {  	s2 =	sld [smem:$0x3FD0];
	_ =	sdelay $0x2  }
0x9: {  	s16 =	simm.s32 $0xA;
	s4 =	simm.s32 $0x10  }
0xa: {  	[smem:s4], [sflag:s16] =	dma.local [hbm:s2], $0x1  }
0xb: {  	_ =	swait.eq [sflag:s16], $0x1  }
0xc: {  	[sflag:s16] =	ssyncset.done $0x0  }
0xd: {  	[sflag:s16] =	ssyncadd.s32 $0xFFFFFFFF  }
0xe: {  	s17 =	sld [smem:$0x10];
	(tm) =	ssettm $0x1  }
0xf: {  	s18 =	sld [smem:$0x3FFB];
	_ =	sdelay $0x3  }
0x10: {  	_ =	strace s18  }
0x11: {  	s3 =	sld [smem:$0x3FFC];
	_ =	sdelay $0x3  }
0x12: {  	_ =	strace s3  }
0x13: {  	s3 =	sld [smem:$0x3FFD];
	_ =	sdelay $0x3  }
0x14: {  	_ =	strace s3  }
0x15: {  	_ =	strace $0x8FFFFFFF  }
0x16: {  	s19 =	sld [smem:$0x3FDB];
	_ =	sdelay $0x1  }
0x17: {  	s20 =	simm.s32 $_scs_section_size  }
0x18: {  	s5 =	simm.s32 $_size__tile_overlayer_lowered;
	s6 =	simm.s32 $_tile_overlayer_lowered  }
0x19: {  	s23 =	simm.s32 $0x1BFF;
	s22 =	sshll.u32 s6, $0x1;
	s3 =	sadd.s32 s20, s19  }
0x1a: {  	s7 =	simm.s32 $0x0;
	s21 =	sshll.u32 s5, $0x1;
	s5 =	sadd.s32 s22, s3  }
0x1b: {  	[timem:s7], [sflag:s23] =	dma.local [hbm:s5], s21  }
0x1c: {  	_ =	swait.ge [sflag:s23], s21  }
0x1d: {  	s4 =	ssub.s32 $0x0, s21;
	[sflag:s23] =	ssyncset.done $0x0  }
0x1e: {  	[sflag:s23] =	ssyncadd.s32 s4;
	_ =	sdelay $0x1  }
0x1f: {  	s24 =	simm.s32 $0x1B8B  }
0x20: {  	_ =	swait.ge [sflag:s24], $0x1  }
0x21: {  	[sflag:s24] =	ssyncset.done $0x0  }
0x22: {  	s26 =	simm.s32 $0x1B8E;
	s25 =	sld [smem:$0x3FFE];
	[sflag:s24] =	ssyncadd.s32 $0xFFFFFFFF  }
0x23: {  	s27 =	simm.s32 $execute0_lowered;
	[smem:$0x3FD2] =	sst s26  }
0x24: {  	s5 =	sshll.u32 s27, $0x1;
	_ =	strace $0x80000046;
	[dreg:$0x1] =	wrdreg $0xFFFFFFFF  }
0x25: {  	s28 =	simm.s32 $_size_execute0_lowered;
	s3 =	sadd.s32 s3, s5;
	[dreg:$0x0] =	wrdreg $0x0  }
0x26: {  	s5 =	sshll.u32 s28, $0x1;
	[dreg:$0x2] =	wrdreg s3  }
0x27: {  	[dreg:$0x3] =	wrdreg s5  }
0x28: {  	[dreg:$0x4] =	wrdreg $0xC0  }
0x29: {  	_ =	task [dreg:s7], $0x5FFFF  }
0x2a: {  	[dreg:$0x1] =	wrdreg $0xFFFFFFFF  }
0x2b: {  	[dreg:$0x0] =	wrdreg $0x60  }
0x2c: {  	[dreg:$0x2] =	wrdreg s25  }
0x2d: {  	[dreg:$0x3] =	wrdreg s17  }
0x2e: {  	[dreg:$0x4] =	wrdreg $0x9  }
0x2f: {  	_ =	task.clear_ibuf [dreg:s7], $0x5FFFF;
	_ =	strace $0x90000046  }
0x30: {  	s29 =	simm.s32 $0x9;
	_ =	strace $0x80000048  }
0x31: {  	_ =	swait.ge [sflag:s29], $0x1  }
0x32: {  	[sflag:s29] =	ssyncadd.s32 $0xFFFFFFFF  }
0x33: {  	_ =	strace $0x90000048  }
0x34: {  	_ =	sfence  }
0x35: {  	s30 =	sld [smem:$0x0];
	_ =	sdelay $0x2  }
0x36: {  	s31 =	sshll.u32 s1, $0xD;
	s1 =	sshrl.u32 s1, $0x2  }
0x37: {  	s3 =	sand.u32 $0x4000, s31;
	s1 =	sadd.s32 s1, s30  }
0x38: {  	s0 =	sor.u32 s3, s0;
	s1 =	sshll.u32 s1, $0x11  }
0x39: {  	s0 =	sor.u32 s1, s0  }
0x3a: {  	s0 =	sadd.s32 $0x8F2B, s0  }
0x3b: {  	[sflag:s0] =	ssyncadd.remote.s32 $0x1  }
0x3c: {  	_ =	sfence.sel $0xFFFF  }
0x3d: {  	[dreg:$0x0] =	wrdreg $0xFFFFFFFF;
	(pc) =	sbr.abs _section_cstart, $3  }
0x3e: {  	[dreg:$0x1] =	wrdreg $0xFFFFFFFF  }
0x3f: {  	_ =	task.clear_ibuf [dreg:s7], $0x2FFFF;
	_ =	strace $0x9FFFFFFF  }
0x40: {  	(tm) =	ssettm $0x7FFFFFFF  }
0x41: {  	_ =	shalt  }
tec
execute0_lowered:
.L_overlay_start_1:
0x0: {  	(tag) =	ssettag $0x1  }
0x1: {  	s1 =	rddreg [dreg:$0x0]  }
0x2: {  	s2 =	rddreg [dreg:$0x1]  }
0x3: {  	s0 =	rddreg [dreg:$0x2];
	_ =	strace $0x80000047;
	s4 =	srdreg.scid  }
0x4: {  	s6 =	simm.s32 $0x2;
	s11 =	simm.s32 $0x0;
	p0 =	por $0x0, $0x0  }
.Ltmp0:
0x5: {  	s7 =	simm.s32 $0x2000;
	s12 =	simm.s32 $0x0;
	(pc) =	sbr.rel .LBB1_1-.Ltmp0, $4  }
0x6: {  	s9 =	simm.s32 $0x0;
	s3 =	sadd.s32 $0x200, s1;
	s5 =	sshll.u32 s4, $0x4  }
0x7: {  	s1 =	stileid.u32;
	s4 =	simm.s32 $0x1;
	s5 =	sand.u32 $0x10, s5  }
0x8: {  	s8 =	simm.s32 $0x0;
	[sflag:s4] =	ssyncpa.u1 $0x0;
	s5 =	sor.u32 s1, s5  }
0x9: {  	[sflag:s6] =	ssyncpa.u1 $0x0;
	s6 =	simm.s32 $0x800;
	s10 =	smov.u32 s5  }
.LBB1_7:
0xa: {  	s13 =	sadd.s32 $0x10, s9  }
0xb: {  	s11 =	sadd.s32 $0x20, s10;
	s15 =	smov.u32 s10;
	p2 =	sgt.s32 s13, $0x3F  }
0xc: {  	p1 =	slt.u32 s8, $0x2;
	s15 =	smov.u32 @p2 s11  }
0xd: {  	s8 =	sadd.s32 $0x1, s8;
	s13 =	simm.s32 @p2 $0x0;
	p2 =	sgt.s32 s15, $0x1FF  }
0xe: {  	s15 =	smov.u32 @p2 s5;
	p2 =	sne.s32 s8, $0x42  }
.Ltmp1:
0xf: {  	_ = 	snop;
	(pc) =	sbr.rel @!p2 .LBB1_8-.Ltmp1, $4  }
0x10: {  	s14 =	simm.s32 @!p1 $0x2  }
0x11: {  	s12 =	smov.u32 s10;
	_ =	swait.ge @!p1 [sflag:s14], $0x4000  }
0x12: {  	p0 =	por !p0, !p0;
	s11 =	smov.u32 s9;
	[sflag:s14] =	ssyncset.done @!p1 $0x0  }
0x13: {  	s9 =	smov.u32 s13;
	[sflag:s14] =	ssyncadd.s32 @!p1 $0xFFFFC000;
	s10 =	smov.u32 s15  }
.LBB1_1:
0x14: {  	p1 =	sgt.u32 s8, $0x3F  }
0x15: {  	s13 =	sxor.u32 @!p1 $0xFFFFFFFF, s8;
	s14 =	sshll.u32 @!p1 s10, $0xD  }
0x16: {  	s15 =	sshll.u32 @!p1 s9, $0x7;
	s13 =	sshll.u32 @!p1 s13, $0xE;
	s14 =	sadd.s32 @!p1 s3, s14  }
0x17: {  	s13 =	sand.u32 @!p1 $0x4000, s13;
	s14 =	sadd.s32 @!p1 s15, s14;
	s15 =	simm.s32 @!p1 $0x0  }
0x18: {  	[tilespmem:s13], [sflag:$0x1] =	stream.linear.gather @!p1 [hbm4b:s14+s15], $0x4000, $0x38;
	[tilespmem:$0x10000] =	vst v63  }
0x19: {  	p1 =	seq.s32 s8, $0x0  }
0x1a: {  	p2 =	seq.s32 @!p1 s8, $0x41  }
0x1b: {  	p1 =	por p1, p2  }
.Ltmp2:
0x1c: {  	_ = 	snop;
	(pc) =	sbr.rel @p1 .LBB1_7-.Ltmp2, $1  }
0x1d: {  	_ =	sdelay $0x3  }
0x1e: {  	s13 =	simm.s32 $0x1;
	_ =	swait.ge [sflag:s4], $0x4000;
	s16 =	sshll.u32 s8, $0xE  }
0x1f: {  	s13 =	simm.s32 @!p0 $0x0;
	[sflag:s4] =	ssyncset.done $0x0;
	s31 =	sand.u32 $0x4000, s16  }
0x20: {  	s16 =	simm.s32 $0x0;
	s14 =	sshll.u32 s13, $0xE;
	[sflag:s4] =	ssyncadd.s32 $0xFFFFC000  }
0x21: {  	s13 =	sor.u32 $0x8040, s14;
	s15 =	sor.u32 $0x40, s14;
	s14 =	sor.u32 $0x8000, s31  }
.LBB1_3:
0x22: {  	v0 =	vmov s15;
	_ =	sdelay $0x3  }
0x23: {  	s18 =	simm.s32 $0x0  }
0x24: {  	v6 =	vld.idx.msk [tilespmem:v0+s18+$0x30 ss:$0x1], $0xffff  }
0x25: {  	v7 =	vld.idx.msk [tilespmem:v0+s18+$0xFFFFFFC0 ss:$0x1], $0xffff  }
0x26: {  	v5 =	vld.idx.msk [tilespmem:v0+s18+$0xFFFFFFD0 ss:$0x1], $0xffff  }
0x27: {  	v4 =	vld.idx.msk [tilespmem:v0+s18+$0xFFFFFFE0 ss:$0x1], $0xffff  }
0x28: {  	v3 =	vld.idx.msk [tilespmem:v0+s18+$0xFFFFFFF0 ss:$0x1], $0xffff  }
0x29: {  	v1 =	vld.idx.msk [tilespmem:v0+s18+$0x0 ss:$0x1], $0xffff  }
0x2a: {  	v2 =	vld.idx.msk [tilespmem:v0+s18+$0x10 ss:$0x1], $0xffff;
	[tilespmem:s13+$0x30] =	vst v6  }
0x2b: {  	s17 =	simm.s32 $0x80;
	s19 =	simm.s32 $0x400;
	[tilespmem:s13+$0xFFFFFFC0] =	vst v7;
	v6 =	vld.idx.msk [tilespmem:v0+s18+$0x20 ss:$0x1], $0xffff;
	s18 =	smov.u32 s13  }
.LBB1_4:
0x2c: {  	p1 =	sne.s32 s19, $0xE00;
	v7 =	vld.idx.msk [tilespmem:v0+s17+$0x30 ss:$0x1], $0xffff;
	[tilespmem:s18+$0xFFFFFFD0] =	vst v5  }
0x2d: {  	v8 =	vld.idx.msk [tilespmem:v0+s17+$0xFFFFFFC0 ss:$0x1], $0xffff;
	[tilespmem:s18+$0xFFFFFFE0] =	vst v4  }
0x2e: {  	v5 =	vld.idx.msk [tilespmem:v0+s17+$0xFFFFFFD0 ss:$0x1], $0xffff;
	[tilespmem:s18+$0xFFFFFFF0] =	vst v3  }
.Ltmp3:
0x2f: {  	v4 =	vld.idx.msk [tilespmem:v0+s17+$0xFFFFFFE0 ss:$0x1], $0xffff;
	[tilespmem:s18+$0x0] =	vst v1;
	(pc) =	sbr.rel @p1 .LBB1_4-.Ltmp3, $4  }
0x30: {  	v3 =	vld.idx.msk [tilespmem:v0+s17+$0xFFFFFFF0 ss:$0x1], $0xffff;
	[tilespmem:s18+$0x10] =	vst v2  }
0x31: {  	v1 =	vld.idx.msk [tilespmem:v0+s17+$0x0 ss:$0x1], $0xffff;
	[tilespmem:s18+$0x20] =	vst v6;
	s18 =	sadd.s32 $0x800, s18  }
0x32: {  	v2 =	vld.idx.msk [tilespmem:v0+s17+$0x10 ss:$0x1], $0xffff;
	[tilespmem:s18+$0x30] =	vst v7  }
0x33: {  	[tilespmem:s18+$0xFFFFFFC0] =	vst v8;
	v6 =	vld.idx.msk [tilespmem:v0+s17+$0x20 ss:$0x1], $0xffff;
	s17 =	sshra.s32 s19, $0x2;
	s19 =	sadd.s32 $0x200, s19  }
0x34: {  	_ =	sdelay $0x2  }
0x35: {  	[tilespmem:s18+$0xFFFFFFD0] =	vst v5  }
0x36: {  	v56 =	vld.idx.msk [tilespmem:v0+s17+$0x30 ss:$0x1], $0xffff;
	[tilespmem:s18+$0xFFFFFFE0] =	vst v4  }
0x37: {  	v57 =	vld.idx.msk [tilespmem:v0+s17+$0xFFFFFFC0 ss:$0x1], $0xffff;
	[tilespmem:s18+$0xFFFFFFF0] =	vst v3  }
0x38: {  	v58 =	vld.idx.msk [tilespmem:v0+s17+$0xFFFFFFD0 ss:$0x1], $0xffff;
	[tilespmem:s18+$0x0] =	vst v1  }
0x39: {  	v59 =	vld.idx.msk [tilespmem:v0+s17+$0xFFFFFFE0 ss:$0x1], $0xffff;
	[tilespmem:s18+$0x10] =	vst v2  }
0x3a: {  	v60 =	vld.idx.msk [tilespmem:v0+s17+$0xFFFFFFF0 ss:$0x1], $0xffff;
	s31 =	sadd.s32 $0x800, s18;
	[tilespmem:s18+$0x20] =	vst v6  }
0x3b: {  	v61 =	vld.idx.msk [tilespmem:v0+s17+$0x0 ss:$0x1], $0xffff;
	[tilespmem:s31+$0x30] =	vst v56  }
0x3c: {  	v62 =	vld.idx.msk [tilespmem:v0+s17+$0x10 ss:$0x1], $0xffff;
	s16 =	sadd.s32 $0x1, s16;
	[tilespmem:s31+$0xFFFFFFC0] =	vst v57  }
0x3d: {  	v63 =	vld.idx.msk [tilespmem:v0+s17+$0x20 ss:$0x1], $0xffff;
	p1 =	sne.s32 s16, $0x10;
	[tilespmem:s31+$0xFFFFFFD0] =	vst v58  }
.Ltmp4:
0x3e: {  	[tilespmem:s31+$0xFFFFFFE0] =	vst v59;
	(pc) =	sbr.rel @p1 .LBB1_3-.Ltmp4, $4  }
0x3f: {  	[tilespmem:s31+$0xFFFFFFF0] =	vst v60  }
0x40: {  	[tilespmem:s31+$0x0] =	vst v61  }
0x41: {  	[tilespmem:s31+$0x10] =	vst v62  }
0x42: {  	s13 =	sadd.s32 $0x80, s13;
	s15 =	sadd.s32 $0x400, s15;
	[tilespmem:s31+$0x20] =	vst v63  }
.Ltmp5:
0x43: {  	(pc) =	sbr.rel .LBB1_7-.Ltmp5, $4  }
0x44: {  	s12 =	sshll.u32 s12, $0xD;
	s11 =	sshll.u32 s11, $0x4  }
0x45: {  	s11 =	sand.u32 $0x3F0, s11;
	s12 =	sadd.s32 s2, s12  }
0x46: {  	s11 =	sadd.s32 s11, s12  }
0x47: {  	[hbm4b:s11+s6] =	stream.strided.scatter [tilespmem:s14], [sflag:$0x2], $0x4000, s7, s6, $0x38;
	[tilespmem:$0x10000] =	vst v63  }
.LBB1_8:
0x48: {  	_ =	sfence.sel $0x180000  }
0x49: {  	s2 =	simm.s32 $0x1;
	[bflag:$0x0] =	sbarrier.arrive $0xFFFF  }
0x4a: {  	s31 =	simm.s32 $0x2;
	[sflag:s2] =	ssyncpa.u1 $0x1  }
0x4b: {  	[sflag:s31] =	ssyncpa.u1 $0x1  }
0x4c: {  	p0 =	sne.s32 s1, $0x0;
	_ =	strace $0x90000047  }
0x4d: {  	s0 =	sadd.s32 @!p0 $0x100000, s0;
	[bflag:$0x2] =	sbarrier.arrive $0xFFFF  }
0x4e: {  	[sflag:s0] =	ssyncadd.tile.s32 @!p0 $0x1;
	_ =	shalt  }
.Lfunc_end1:
_tile_overlayer_lowered:
.L_overlay_start_2:
0x4f: {  	(tag) =	ssettag $0x2  }
0x50: {  	s0 =	rddreg [dreg:$0x0];
	s2 =	stileid.u32  }
0x51: {  	s1 =	rddreg [dreg:$0x1];
	p0 =	sne.s32 s2, $0x0  }
0x52: {  	s3 =	rddreg [dreg:$0x2];
	[bflag:$0x3] =	sbarrier.arrive $0xFFFF;
	s2 =	simm.s32 @!p0 $0x1C01  }
0x53: {  	[timem:s3], [sflag:s2] =	dma.local @!p0 [hbm:s0], s1  }
0x54: {  	s0 =	simm.s32 @!p0 $0x1  }
0x55: {  	_ =	swait.ge @!p0 [sflag:s0], s1  }
0x56: {  	s1 =	ssub.s32 @!p0 $0x0, s1;
	[sflag:s0] =	ssyncset.done @!p0 $0x0  }
0x57: {  	[sflag:s0] =	ssyncadd.s32 @!p0 s1  }
0x58: {  	[bflag:$0x3] =	sbarrier.arrive $0xFFFF  }
0x59: {  	_ =	shalt  }

</sc_bundles>
